<compile_context>
chip_gen: v7x
topology: tpu7x:2x2x1
jax: 0.10.2.dev20260603
libtpu: 0.0.44.dev20260713+nightly
codegen_flags: <defaults>
</compile_context>

<pallas_src>
import functools

import jax
import jax.numpy as jnp
from jax import lax
from jax.experimental import pallas as pl
from jax.experimental.pallas import tpu as pltpu
from jax.experimental.pallas import tpu_sc as plsc

_N = 3
_V = 100000
_B = 32
_L = 4096
_W = _L - _N + 1
_LANES = 16
_NC, _NS = 2, 16
_CHUNKS = (_W + _LANES - 1) // _LANES
_ROWBUF = _CHUNKS * _LANES + _LANES

_mesh = plsc.VectorSubcoreMesh(
    core_axis_name="c", subcore_axis_name="s", num_cores=_NC, num_subcores=_NS
)


@functools.partial(
    pl.kernel,
    out_type=[
        jax.ShapeDtypeStruct((_B, 1, _V), jnp.float32),
        jax.ShapeDtypeStruct((_B, _LANES), jnp.float32),
    ],
    mesh=_mesh,
    scratch_types=[
        pltpu.VMEM((_ROWBUF,), jnp.int32),
        pltpu.VMEM((_V,), jnp.float32),
        pltpu.VMEM((_LANES,), jnp.float32),
    ],
    compiler_params=pltpu.CompilerParams(needs_layout_passes=False),
)
def _sc_ngram(ids_hbm, cnt_hbm, m_hbm, row_v, cnt_v, m_v):
    b = lax.axis_index("s") * _NC + lax.axis_index("c")

    pltpu.sync_copy(ids_hbm.at[b], row_v.at[pl.ds(0, _L)])

    tail = row_v[pl.ds(_L - _LANES, _LANES)]
    t1 = jnp.full((_LANES,), tail[_LANES - 2])
    t2 = jnp.full((_LANES,), tail[_LANES - 1])
    iota = lax.broadcasted_iota(jnp.int32, (_LANES,), 0)

    def _match(base):
        a = row_v[pl.ds(base, _LANES)]
        bb = row_v[pl.ds(base + 1, _LANES)]
        return (a == t1) & (bb == t2)

    def count_body(i, acc):
        base = i * (5 * _LANES)
        for u in range(5):
            acc = acc + plsc.all_reduce_population_count(_match(base + u * _LANES))
        return acc

    acc = lax.fori_loop(
        0, (_CHUNKS - 1) // 5, count_body, jnp.zeros((_LANES,), jnp.int32)
    )
    base0 = (_CHUNKS - 1) * _LANES
    tail_match = _match(base0) & ((base0 + iota) < _W)
    acc = acc + plsc.all_reduce_population_count(tail_match)
    m = acc[0]

    m_v[...] = acc.astype(jnp.float32)
    pltpu.sync_copy(m_v, m_hbm.at[b])

    zeros16 = jnp.zeros((_LANES,), jnp.float32)
    ones16 = jnp.ones((_LANES,), jnp.float32)

    def zero_body(j, carry):
        cnt_v[pl.ds(j * _LANES, _LANES)] = zeros16
        return carry

    def scat_body(i, carry):
        base = i * _LANES
        match = _match(base) & ((base + iota) < _W)
        nx = jnp.where(match, row_v[pl.ds(base + 2, _LANES)], 0)
        for k in range(_LANES):
            plsc.addupdate_scatter(cnt_v, [nx], ones16, mask=match & (iota == k))
        return carry

    @pl.when(m > 0)
    def _():
        lax.fori_loop(0, _V // _LANES, zero_body, 0)
        lax.fori_loop(0, _CHUNKS, scat_body, 0)
        pltpu.sync_copy(cnt_v, cnt_hbm.at[b, 0])


def _tc_fill_body(alpha_ref, ids_ref, out_ref):
    alpha = alpha_ref[0]
    ids = ids_ref[...]
    t1 = ids[:, _L - 2 : _L - 1]
    t2 = ids[:, _L - 1 : _L]
    match = (ids[:, 0:_W] == t1) & (ids[:, 1 : _W + 1] == t2)
    m32 = jnp.sum(match.astype(jnp.float32), axis=1, keepdims=True)
    denom = alpha * jnp.float32(_V) + m32
    ld3 = lax.broadcast_in_dim(jnp.log(denom), (_B, 1, _V), (0, 2))
    la = jnp.log(jnp.full((_B, 1), alpha, jnp.float32))
    out_ref[...] = lax.broadcast_in_dim(la, (_B, 1, _V), (0, 2)) - ld3


_tc_fill = pl.pallas_call(
    _tc_fill_body,
    in_specs=[
        pl.BlockSpec(memory_space=pltpu.SMEM),
        pl.BlockSpec((_B, _L), lambda: (0, 0)),
    ],
    out_specs=pl.BlockSpec((_B, 1, _V), lambda: (0, 0, 0)),
    out_shape=jax.ShapeDtypeStruct((_B, 1, _V), jnp.float32),
)


def _tc_patch_body(alpha_ref, m_ref, cnt_hbm, fill_hbm, out_hbm, buf_v, sem):
    del fill_hbm
    m32 = m_ref[:, 0:1]

    @pl.when(jnp.max(m32) > 0.0)
    def _():
        alpha = alpha_ref[0]
        cp = pltpu.make_async_copy(cnt_hbm, buf_v, sem)
        cp.start()
        cp.wait()
        denom = alpha * jnp.float32(_V) + m32
        ld3 = lax.broadcast_in_dim(jnp.log(denom), (_B, 1, _V), (0, 2))
        la = jnp.log(jnp.full((_B, 1), alpha, jnp.float32))
        fill = lax.broadcast_in_dim(la, (_B, 1, _V), (0, 2)) - ld3
        logs = jnp.log(buf_v[...] + alpha) - ld3
        no_match_row = lax.broadcast_in_dim(m32 == 0.0, (_B, 1, _V), (0, 1))
        buf_v[...] = jnp.where(no_match_row, fill, logs)
        cp2 = pltpu.make_async_copy(buf_v, out_hbm, sem)
        cp2.start()
        cp2.wait()


_tc_patch = pl.pallas_call(
    _tc_patch_body,
    in_specs=[
        pl.BlockSpec(memory_space=pltpu.SMEM),
        pl.BlockSpec((_B, _LANES), lambda: (0, 0)),
        pl.BlockSpec(memory_space=pl.ANY),
        pl.BlockSpec(memory_space=pl.ANY),
    ],
    out_specs=pl.BlockSpec(memory_space=pl.ANY),
    out_shape=jax.ShapeDtypeStruct((_B, 1, _V), jnp.float32),
    scratch_shapes=[
        pltpu.VMEM((_B, 1, _V), jnp.float32),
        pltpu.SemaphoreType.DMA,
    ],
    input_output_aliases={3: 0},
)


def kernel(input_ids, alpha):
    ids = input_ids.astype(jnp.int32)
    alpha1 = jnp.reshape(alpha, (1,)).astype(jnp.float32)

    counts, m_splat = _sc_ngram(ids)
    counts = pltpu.with_memory_space_constraint(counts, pltpu.MemorySpace.HBM)
    fill = _tc_fill(alpha1, ids)
    return _tc_patch(alpha1, m_splat, counts, fill)

# --- scband reference (transcript-rebuilt; emitter-appended) ---
"""Pipeline reference for scband-ngram-model-26036091748996 (READ-ONLY COPY).

The authoritative reference and input builder live on the scoring server;
editing this copy changes nothing except your own understanding.
"""

import jax, jax.numpy as jnp
import numpy as np

N = 3
VOCAB = 100000
B = 32
L = 4096
ALPHA = 0.1

def setup_inputs(seed: int = 0) -> dict:
    key = jax.random.key(seed)
    input_ids = jax.random.randint(key, (B, L), 0, VOCAB, dtype=jnp.int32)
    alpha = jnp.array(ALPHA, dtype=jnp.float32)
    return {"input_ids": input_ids, "alpha": alpha}

def reference(input_ids, alpha):
    # Faithful vectorized translation of NgramModel.forward:
    # For each hypothesis, the n-gram dict maps every (n-1)-token prefix seen in
    # windows i in [0, L-n] to the list of following tokens. The query prefix is
    # the last (n-1) tokens. Counter + scatter_add over unique keys is equivalent
    # to adding 1 per matching occurrence into a vocab-size histogram.
    Bq, Lq = input_ids.shape
    n = N
    W = Lq - n + 1  # number of full n-gram windows
    win_idx = jnp.arange(W)[:, None] + jnp.arange(n - 1)[None, :]  # [W, n-1]
    prefixes = input_ids[:, win_idx]          # [B, W, n-1] gather
    nexts = input_ids[:, n - 1:]              # [B, W] token following each prefix
    last = input_ids[:, Lq - n + 1:]          # [B, n-1] query prefix (last n-1 tokens)
    match = jnp.all(prefixes == last[:, None, :], axis=-1)  # [B, W]
    # scatter-add per-row histogram of next-tokens where prefix matches
    flat_idx = (jnp.arange(Bq)[:, None] * VOCAB + nexts).reshape(-1)
    vals = match.astype(jnp.float32).reshape(-1)
    counts = jnp.zeros(Bq * VOCAB, dtype=jnp.float32).at[flat_idx].add(vals).reshape(Bq, VOCAB)
    base = alpha * jnp.ones((Bq, VOCAB), dtype=jnp.float32) + counts
    probs = base / jnp.sum(base, axis=-1, keepdims=True)
    logits = jnp.log(probs)[:, None, :]       # [B, 1, VOCAB]
    return logits

if __name__ == "__main__":
    import jax
    _d = setup_inputs()
    print(jax.jit(kernel)(*tuple(_d.values())))

</pallas_src>

<mosaic_0001>
#map = affine_map<(d0, d1) -> (0, 0)>
#map1 = affine_map<(d0, d1) -> (0, 0, 0)>
module attributes {stable_mosaic.version = 14 : i64} {
  func.func @_sc_ngram(%arg0: i32, %arg1: i32, %arg2: memref<32x4096xi32, #tpu.memory_space<hbm>>, %arg3: memref<32x1x100000xf32, #tpu.memory_space<hbm>>, %arg4: memref<32x16xf32, #tpu.memory_space<hbm>>, %arg5: memref<4112xi32, #tpu.memory_space<vmem>>, %arg6: memref<100000xf32, #tpu.memory_space<vmem>>, %arg7: memref<16xf32, #tpu.memory_space<vmem>>) attributes {dimension_semantics = [#tpu.dimension_semantics<core_parallel>, #tpu.dimension_semantics<subcore_parallel>], iteration_bounds = array<i64: 2, 16>, scalar_prefetch = 0 : i64, scratch_operands = 3 : i64, tpu.core_type = #tpu.core_type<sc_vector_subcore>, window_params = [{transform_indices = #map}, {transform_indices = #map1}, {transform_indices = #map}]} {
    %mul3A = arith.constant 2 : i32
    %mul3A_0 = arith.muli %arg1, %mul3A : i32
    %add3A = arith.addi %mul3A_0, %arg0 : i32
    "tpu.region"() ({
      %run_scoped3A = tpu.sem_alloc : memref<!tpu.dma_semaphore, #tpu.memory_space<semaphore_mem>>
      %dma_start3A = arith.constant 0 : i32
      %dma_start3A_34 = tpu.memref_slice %arg5[%dma_start3A] : memref<4112xi32, #tpu.memory_space<vmem>> -> memref<4096xi32, #tpu.memory_space<vmem>>
      %dma_start3A_35 = arith.constant 0 : i32
      %dma_start3A_36 = tpu.memref_slice %arg2[%add3A, %dma_start3A_35] : memref<32x4096xi32, #tpu.memory_space<hbm>> -> memref<1x4096xi32, #tpu.memory_space<hbm>>
      %dma_start3A_37 = tpu.memref_squeeze %dma_start3A_36 : memref<1x4096xi32, #tpu.memory_space<hbm>> -> memref<4096xi32, #tpu.memory_space<hbm>>
      %dma_start3A_38 = arith.constant 0 : i32
      %dma_start3A_39 = tpu.memref_slice %arg5[%dma_start3A_38] : memref<4112xi32, #tpu.memory_space<vmem>> -> memref<4096xi32, #tpu.memory_space<vmem>>
      %dma_start3A_40 = arith.constant 0 : i32
      %dma_start3A_41 = tpu.memref_slice %arg2[%add3A, %dma_start3A_40] : memref<32x4096xi32, #tpu.memory_space<hbm>> -> memref<1x4096xi32, #tpu.memory_space<hbm>>
      %dma_start3A_42 = tpu.memref_squeeze %dma_start3A_41 : memref<1x4096xi32, #tpu.memory_space<hbm>> -> memref<4096xi32, #tpu.memory_space<hbm>>
      tpu.enqueue_dma source(%dma_start3A_42 : memref<4096xi32, #tpu.memory_space<hbm>>) target(%dma_start3A_39 : memref<4096xi32, #tpu.memory_space<vmem>>) target_semaphore(%run_scoped3A : memref<!tpu.dma_semaphore, #tpu.memory_space<semaphore_mem>>)
      %dma_wait3A = arith.constant 0 : i32
      %dma_wait3A_43 = tpu.memref_slice %arg5[%dma_wait3A] : memref<4112xi32, #tpu.memory_space<vmem>> -> memref<4096xi32, #tpu.memory_space<vmem>>
      %dma_wait3A_44 = arith.constant 0 : i32
      %dma_wait3A_45 = tpu.memref_slice %arg2[%add3A, %dma_wait3A_44] : memref<32x4096xi32, #tpu.memory_space<hbm>> -> memref<1x4096xi32, #tpu.memory_space<hbm>>
      %dma_wait3A_46 = tpu.memref_squeeze %dma_wait3A_45 : memref<1x4096xi32, #tpu.memory_space<hbm>> -> memref<4096xi32, #tpu.memory_space<hbm>>
      %dma_wait3A_47 = arith.constant 0 : i32
      %dma_wait3A_48 = tpu.memref_slice %arg5[%dma_wait3A_47] : memref<4112xi32, #tpu.memory_space<vmem>> -> memref<4096xi32, #tpu.memory_space<vmem>>
      %dma_wait3A_49 = arith.constant 0 : i32
      %dma_wait3A_50 = tpu.memref_slice %arg2[%add3A, %dma_wait3A_49] : memref<32x4096xi32, #tpu.memory_space<hbm>> -> memref<1x4096xi32, #tpu.memory_space<hbm>>
      %dma_wait3A_51 = tpu.memref_squeeze %dma_wait3A_50 : memref<1x4096xi32, #tpu.memory_space<hbm>> -> memref<4096xi32, #tpu.memory_space<hbm>>
      tpu.wait_dma2 semaphore(%run_scoped3A : memref<!tpu.dma_semaphore, #tpu.memory_space<semaphore_mem>>) src(%dma_wait3A_51 : memref<4096xi32, #tpu.memory_space<hbm>>) dst(%dma_wait3A_48 : memref<4096xi32, #tpu.memory_space<vmem>>)
      tpu.yield
    }) : () -> ()
    %get3A = arith.constant 4080 : index
    %get3A_1 = tpu.vector_load %arg5[%get3A] {strides = array<i32>} : memref<4112xi32, #tpu.memory_space<vmem>>, vector<16xi32>,
    %slice3A = vector.extract_strided_slice %get3A_1 {offsets = [14], sizes = [1], strides = [1]} : vector<16xi32> to vector<1xi32>
    %squeeze3A = vector.extract %slice3A[0] : i32 from vector<1xi32>
    %broadcast_in_dim3A = vector.broadcast %squeeze3A : i32 to vector<16xi32>
    %slice3A_2 = vector.extract_strided_slice %get3A_1 {offsets = [15], sizes = [1], strides = [1]} : vector<16xi32> to vector<1xi32>
    %squeeze3A_3 = vector.extract %slice3A_2[0] : i32 from vector<1xi32>
    %broadcast_in_dim3A_4 = vector.broadcast %squeeze3A_3 : i32 to vector<16xi32>
    %iota3A = tpu.iota {dimensions = array<i32: 0>} : vector<16xi32>
    %broadcast_in_dim3A_5 = arith.constant 0 : i32
    %broadcast_in_dim3A_6 = vector.broadcast %broadcast_in_dim3A_5 : i32 to vector<16xi32>
    %scan3A = arith.constant 0 : i32
    %scan3A_7 = arith.constant 51 : i32
    %scan3A_8 = arith.addi %scan3A, %scan3A_7 : i32
    %scan3A_9 = arith.constant 1 : i32
    %scan3A_10 = scf.for %scan3A_34 = %scan3A to %scan3A_8 step %scan3A_9 iter_args(%scan3A_35 = %broadcast_in_dim3A_6) -> (vector<16xi32>)  : i32 {
      %mul3A_36 = arith.constant 80 : i32
      %mul3A_37 = arith.muli %scan3A_34, %mul3A_36 : i32
      %add3A_38 = arith.constant 0 : i32
      %add3A_39 = arith.addi %mul3A_37, %add3A_38 : i32
      %get3A_40 = arith.index_cast %add3A_39 : i32 to index
      %get3A_41 = tpu.vector_load %arg5[%get3A_40] {strides = array<i32>} : memref<4112xi32, #tpu.memory_space<vmem>>, vector<16xi32>,
      %add3A_42 = arith.constant 1 : i32
      %add3A_43 = arith.addi %add3A_39, %add3A_42 : i32
      %get3A_44 = arith.index_cast %add3A_43 : i32 to index
      %get3A_45 = tpu.vector_load %arg5[%get3A_44] {strides = array<i32>} : memref<4112xi32, #tpu.memory_space<vmem>>, vector<16xi32>,
      %eq3A_46 = arith.cmpi eq, %get3A_41, %broadcast_in_dim3A : vector<16xi32>
      %eq3A_47 = arith.cmpi eq, %get3A_45, %broadcast_in_dim3A_4 : vector<16xi32>
      %and3A_48 = arith.andi %eq3A_46, %eq3A_47 : vector<16xi1>
      %all_reduce_population_count3A_49 = tpu.all_reduce %and3A_48 {dim = 0 : i64, kind = #tpu.reduction_kind<sum>} : vector<16xi1> -> vector<16xi32>
      %add3A_50 = arith.addi %scan3A_35, %all_reduce_population_count3A_49 : vector<16xi32>
      %add3A_51 = arith.constant 16 : i32
      %add3A_52 = arith.addi %mul3A_37, %add3A_51 : i32
      %get3A_53 = arith.index_cast %add3A_52 : i32 to index
      %get3A_54 = tpu.vector_load %arg5[%get3A_53] {strides = array<i32>} : memref<4112xi32, #tpu.memory_space<vmem>>, vector<16xi32>,
      %add3A_55 = arith.constant 1 : i32
      %add3A_56 = arith.addi %add3A_52, %add3A_55 : i32
      %get3A_57 = arith.index_cast %add3A_56 : i32 to index
      %get3A_58 = tpu.vector_load %arg5[%get3A_57] {strides = array<i32>} : memref<4112xi32, #tpu.memory_space<vmem>>, vector<16xi32>,
      %eq3A_59 = arith.cmpi eq, %get3A_54, %broadcast_in_dim3A : vector<16xi32>
      %eq3A_60 = arith.cmpi eq, %get3A_58, %broadcast_in_dim3A_4 : vector<16xi32>
      %and3A_61 = arith.andi %eq3A_59, %eq3A_60 : vector<16xi1>
      %all_reduce_population_count3A_62 = tpu.all_reduce %and3A_61 {dim = 0 : i64, kind = #tpu.reduction_kind<sum>} : vector<16xi1> -> vector<16xi32>
      %add3A_63 = arith.addi %add3A_50, %all_reduce_population_count3A_62 : vector<16xi32>
      %add3A_64 = arith.constant 32 : i32
      %add3A_65 = arith.addi %mul3A_37, %add3A_64 : i32
      %get3A_66 = arith.index_cast %add3A_65 : i32 to index
      %get3A_67 = tpu.vector_load %arg5[%get3A_66] {strides = array<i32>} : memref<4112xi32, #tpu.memory_space<vmem>>, vector<16xi32>,
      %add3A_68 = arith.constant 1 : i32
      %add3A_69 = arith.addi %add3A_65, %add3A_68 : i32
      %get3A_70 = arith.index_cast %add3A_69 : i32 to index
      %get3A_71 = tpu.vector_load %arg5[%get3A_70] {strides = array<i32>} : memref<4112xi32, #tpu.memory_space<vmem>>, vector<16xi32>,
      %eq3A_72 = arith.cmpi eq, %get3A_67, %broadcast_in_dim3A : vector<16xi32>
      %eq3A_73 = arith.cmpi eq, %get3A_71, %broadcast_in_dim3A_4 : vector<16xi32>
      %and3A_74 = arith.andi %eq3A_72, %eq3A_73 : vector<16xi1>
      %all_reduce_population_count3A_75 = tpu.all_reduce %and3A_74 {dim = 0 : i64, kind = #tpu.reduction_kind<sum>} : vector<16xi1> -> vector<16xi32>
      %add3A_76 = arith.addi %add3A_63, %all_reduce_population_count3A_75 : vector<16xi32>
      %add3A_77 = arith.constant 48 : i32
      %add3A_78 = arith.addi %mul3A_37, %add3A_77 : i32
      %get3A_79 = arith.index_cast %add3A_78 : i32 to index
      %get3A_80 = tpu.vector_load %arg5[%get3A_79] {strides = array<i32>} : memref<4112xi32, #tpu.memory_space<vmem>>, vector<16xi32>,
      %add3A_81 = arith.constant 1 : i32
      %add3A_82 = arith.addi %add3A_78, %add3A_81 : i32
      %get3A_83 = arith.index_cast %add3A_82 : i32 to index
      %get3A_84 = tpu.vector_load %arg5[%get3A_83] {strides = array<i32>} : memref<4112xi32, #tpu.memory_space<vmem>>, vector<16xi32>,
      %eq3A_85 = arith.cmpi eq, %get3A_80, %broadcast_in_dim3A : vector<16xi32>
      %eq3A_86 = arith.cmpi eq, %get3A_84, %broadcast_in_dim3A_4 : vector<16xi32>
      %and3A_87 = arith.andi %eq3A_85, %eq3A_86 : vector<16xi1>
      %all_reduce_population_count3A_88 = tpu.all_reduce %and3A_87 {dim = 0 : i64, kind = #tpu.reduction_kind<sum>} : vector<16xi1> -> vector<16xi32>
      %add3A_89 = arith.addi %add3A_76, %all_reduce_population_count3A_88 : vector<16xi32>
      %add3A_90 = arith.constant 64 : i32
      %add3A_91 = arith.addi %mul3A_37, %add3A_90 : i32
      %get3A_92 = arith.index_cast %add3A_91 : i32 to index
      %get3A_93 = tpu.vector_load %arg5[%get3A_92] {strides = array<i32>} : memref<4112xi32, #tpu.memory_space<vmem>>, vector<16xi32>,
      %add3A_94 = arith.constant 1 : i32
      %add3A_95 = arith.addi %add3A_91, %add3A_94 : i32
      %get3A_96 = arith.index_cast %add3A_95 : i32 to index
      %get3A_97 = tpu.vector_load %arg5[%get3A_96] {strides = array<i32>} : memref<4112xi32, #tpu.memory_space<vmem>>, vector<16xi32>,
      %eq3A_98 = arith.cmpi eq, %get3A_93, %broadcast_in_dim3A : vector<16xi32>
      %eq3A_99 = arith.cmpi eq, %get3A_97, %broadcast_in_dim3A_4 : vector<16xi32>
      %and3A_100 = arith.andi %eq3A_98, %eq3A_99 : vector<16xi1>
      %all_reduce_population_count3A_101 = tpu.all_reduce %and3A_100 {dim = 0 : i64, kind = #tpu.reduction_kind<sum>} : vector<16xi1> -> vector<16xi32>
      %add3A_102 = arith.addi %add3A_89, %all_reduce_population_count3A_101 : vector<16xi32>
      scf.yield %add3A_102 : vector<16xi32>
    }
    %scan3A_11 = arith.constant 51 : i32
    %get3A_12 = arith.constant 4080 : index
    %get3A_13 = tpu.vector_load %arg5[%get3A_12] {strides = array<i32>} : memref<4112xi32, #tpu.memory_space<vmem>>, vector<16xi32>,
    %get3A_14 = arith.constant 4081 : index
    %get3A_15 = tpu.vector_load %arg5[%get3A_14] {strides = array<i32>} : memref<4112xi32, #tpu.memory_space<vmem>>, vector<16xi32>,
    %eq3A = arith.cmpi eq, %get3A_13, %broadcast_in_dim3A : vector<16xi32>
    %eq3A_16 = arith.cmpi eq, %get3A_15, %broadcast_in_dim3A_4 : vector<16xi32>
    %and3A = arith.andi %eq3A, %eq3A_16 : vector<16xi1>
    %add3A_17 = arith.constant 4080 : i32
    %add3A_18 = vector.broadcast %add3A_17 : i32 to vector<16xi32>
    %add3A_19 = arith.addi %add3A_18, %iota3A : vector<16xi32>
    %lt3A = arith.constant 4094 : i32
    %lt3A_20 = vector.broadcast %lt3A : i32 to vector<16xi32>
    %lt3A_21 = arith.cmpi slt, %add3A_19, %lt3A_20 : vector<16xi32>
    %and3A_22 = arith.andi %and3A, %lt3A_21 : vector<16xi1>
    %all_reduce_population_count3A = tpu.all_reduce %and3A_22 {dim = 0 : i64, kind = #tpu.reduction_kind<sum>} : vector<16xi1> -> vector<16xi32>
    %add3A_23 = arith.addi %scan3A_10, %all_reduce_population_count3A : vector<16xi32>
    %slice3A_24 = vector.extract_strided_slice %add3A_23 {offsets = [0], sizes = [1], strides = [1]} : vector<16xi32> to vector<1xi32>
    %squeeze3A_25 = vector.extract %slice3A_24[0] : i32 from vector<1xi32>
    %convert_element_type3A = arith.sitofp %add3A_23 : vector<16xi32> to vector<16xf32>
    %swap3A = arith.constant 0 : index
    %swap3A_26 = tpu.vector_load %arg7[%swap3A] {strides = array<i32>} : memref<16xf32, #tpu.memory_space<vmem>>, vector<16xf32>,
    tpu.vector_store %arg7[%swap3A], %convert_element_type3A {strides = array<i32>} : memref<16xf32, #tpu.memory_space<vmem>>, vector<16xf32>,
    "tpu.region"() ({
      %run_scoped3A = tpu.sem_alloc : memref<!tpu.dma_semaphore, #tpu.memory_space<semaphore_mem>>
      %dma_start3A = arith.constant 0 : i32
      %dma_start3A_34 = tpu.memref_slice %arg4[%add3A, %dma_start3A] : memref<32x16xf32, #tpu.memory_space<hbm>> -> memref<1x16xf32, #tpu.memory_space<hbm>>
      %dma_start3A_35 = tpu.memref_squeeze %dma_start3A_34 : memref<1x16xf32, #tpu.memory_space<hbm>> -> memref<16xf32, #tpu.memory_space<hbm>>
      %dma_start3A_36 = arith.constant 0 : i32
      %dma_start3A_37 = tpu.memref_slice %arg4[%add3A, %dma_start3A_36] : memref<32x16xf32, #tpu.memory_space<hbm>> -> memref<1x16xf32, #tpu.memory_space<hbm>>
      %dma_start3A_38 = tpu.memref_squeeze %dma_start3A_37 : memref<1x16xf32, #tpu.memory_space<hbm>> -> memref<16xf32, #tpu.memory_space<hbm>>
      tpu.enqueue_dma source(%arg7 : memref<16xf32, #tpu.memory_space<vmem>>) target(%dma_start3A_38 : memref<16xf32, #tpu.memory_space<hbm>>) target_semaphore(%run_scoped3A : memref<!tpu.dma_semaphore, #tpu.memory_space<semaphore_mem>>)
      %dma_wait3A = arith.constant 0 : i32
      %dma_wait3A_39 = tpu.memref_slice %arg4[%add3A, %dma_wait3A] : memref<32x16xf32, #tpu.memory_space<hbm>> -> memref<1x16xf32, #tpu.memory_space<hbm>>
      %dma_wait3A_40 = tpu.memref_squeeze %dma_wait3A_39 : memref<1x16xf32, #tpu.memory_space<hbm>> -> memref<16xf32, #tpu.memory_space<hbm>>
      %dma_wait3A_41 = arith.constant 0 : i32
      %dma_wait3A_42 = tpu.memref_slice %arg4[%add3A, %dma_wait3A_41] : memref<32x16xf32, #tpu.memory_space<hbm>> -> memref<1x16xf32, #tpu.memory_space<hbm>>
      %dma_wait3A_43 = tpu.memref_squeeze %dma_wait3A_42 : memref<1x16xf32, #tpu.memory_space<hbm>> -> memref<16xf32, #tpu.memory_space<hbm>>
      tpu.wait_dma2 semaphore(%run_scoped3A : memref<!tpu.dma_semaphore, #tpu.memory_space<semaphore_mem>>) src(%arg7 : memref<16xf32, #tpu.memory_space<vmem>>) dst(%dma_wait3A_43 : memref<16xf32, #tpu.memory_space<hbm>>)
      tpu.yield
    }) : () -> ()
    %broadcast_in_dim3A_27 = arith.constant 0.000000e+00 : f32
    %broadcast_in_dim3A_28 = vector.broadcast %broadcast_in_dim3A_27 : f32 to vector<16xf32>
    %broadcast_in_dim3A_29 = arith.constant 1.000000e+00 : f32
    %broadcast_in_dim3A_30 = vector.broadcast %broadcast_in_dim3A_29 : f32 to vector<16xf32>
    %gt3A = arith.constant 0 : i32
    %gt3A_31 = arith.cmpi sgt, %squeeze3A_25, %gt3A : i32
    %convert_element_type3A_32 = arith.extui %gt3A_31 : i1 to i32
    %cond3A = arith.constant 0 : i32
    %cond3A_33 = arith.cmpi ne, %convert_element_type3A_32, %cond3A : i32
    scf.if %cond3A_33 {
      %scan3A_34 = arith.constant 0 : i32
      %scan3A_35 = arith.constant 0 : i32
      %scan3A_36 = arith.constant 6250 : i32
      %scan3A_37 = arith.addi %scan3A_35, %scan3A_36 : i32
      %scan3A_38 = arith.constant 1 : i32
      scf.for %scan3A_46 = %scan3A_35 to %scan3A_37 step %scan3A_38  : i32 {
        %mul3A_47 = arith.constant 16 : i32
        %mul3A_48 = arith.muli %scan3A_46, %mul3A_47 : i32
        %swap3A_49 = arith.index_cast %mul3A_48 : i32 to index
        %swap3A_50 = tpu.vector_load %arg6[%swap3A_49] {strides = array<i32>} : memref<100000xf32, #tpu.memory_space<vmem>>, vector<16xf32>,
        tpu.vector_store %arg6[%swap3A_49], %broadcast_in_dim3A_28 {strides = array<i32>} : memref<100000xf32, #tpu.memory_space<vmem>>, vector<16xf32>,
      }
      %scan3A_39 = arith.constant 6250 : i32
      %scan3A_40 = arith.constant 0 : i32
      %scan3A_41 = arith.constant 0 : i32
      %scan3A_42 = arith.constant 256 : i32
      %scan3A_43 = arith.addi %scan3A_41, %scan3A_42 : i32
      %scan3A_44 = arith.constant 1 : i32
      scf.for %scan3A_46 = %scan3A_41 to %scan3A_43 step %scan3A_44  : i32 {
        %mul3A_47 = arith.constant 16 : i32
        %mul3A_48 = arith.muli %scan3A_46, %mul3A_47 : i32
        %get3A_49 = arith.index_cast %mul3A_48 : i32 to index
        %get3A_50 = tpu.vector_load %arg5[%get3A_49] {strides = array<i32>} : memref<4112xi32, #tpu.memory_space<vmem>>, vector<16xi32>,
        %add3A_51 = arith.constant 1 : i32
        %add3A_52 = arith.addi %mul3A_48, %add3A_51 : i32
        %get3A_53 = arith.index_cast %add3A_52 : i32 to index
        %get3A_54 = tpu.vector_load %arg5[%get3A_53] {strides = array<i32>} : memref<4112xi32, #tpu.memory_space<vmem>>, vector<16xi32>,
        %eq3A_55 = arith.cmpi eq, %get3A_50, %broadcast_in_dim3A : vector<16xi32>
        %eq3A_56 = arith.cmpi eq, %get3A_54, %broadcast_in_dim3A_4 : vector<16xi32>
        %and3A_57 = arith.andi %eq3A_55, %eq3A_56 : vector<16xi1>
        %add3A_58 = vector.broadcast %mul3A_48 : i32 to vector<16xi32>
        %add3A_59 = arith.addi %add3A_58, %iota3A : vector<16xi32>
        %lt3A_60 = arith.constant 4094 : i32
        %lt3A_61 = vector.broadcast %lt3A_60 : i32 to vector<16xi32>
        %lt3A_62 = arith.cmpi slt, %add3A_59, %lt3A_61 : vector<16xi32>
        %and3A_63 = arith.andi %and3A_57, %lt3A_62 : vector<16xi1>
        %add3A_64 = arith.constant 2 : i32
        %add3A_65 = arith.addi %mul3A_48, %add3A_64 : i32
        %get3A_66 = arith.index_cast %add3A_65 : i32 to index
        %get3A_67 = tpu.vector_load %arg5[%get3A_66] {strides = array<i32>} : memref<4112xi32, #tpu.memory_space<vmem>>, vector<16xi32>,
        %jit3A = arith.constant 0 : i32
        %broadcast_in_dim3A_68 = vector.broadcast %jit3A : i32 to vector<16xi32>
        %select_n3A = arith.select %and3A_63, %get3A_67, %broadcast_in_dim3A_68 : vector<16xi1>, vector<16xi32>
        %eq3A_69 = arith.constant 0 : i32
        %eq3A_70 = vector.broadcast %eq3A_69 : i32 to vector<16xi32>
        %eq3A_71 = arith.cmpi eq, %iota3A, %eq3A_70 : vector<16xi32>
        %and3A_72 = arith.andi %and3A_63, %eq3A_71 : vector<16xi1>
        tpu.vector_store_idx %arg6[%select_n3A], %broadcast_in_dim3A_30 masked %and3A_72 {add = true} : memref<100000xf32, #tpu.memory_space<vmem>>[vector<16xi32>], vector<16xf32>, vector<16xi1>
        %eq3A_73 = arith.constant 1 : i32
        %eq3A_74 = vector.broadcast %eq3A_73 : i32 to vector<16xi32>
        %eq3A_75 = arith.cmpi eq, %iota3A, %eq3A_74 : vector<16xi32>
        %and3A_76 = arith.andi %and3A_63, %eq3A_75 : vector<16xi1>
        tpu.vector_store_idx %arg6[%select_n3A], %broadcast_in_dim3A_30 masked %and3A_76 {add = true} : memref<100000xf32, #tpu.memory_space<vmem>>[vector<16xi32>], vector<16xf32>, vector<16xi1>
        %eq3A_77 = arith.constant 2 : i32
        %eq3A_78 = vector.broadcast %eq3A_77 : i32 to vector<16xi32>
        %eq3A_79 = arith.cmpi eq, %iota3A, %eq3A_78 : vector<16xi32>
        %and3A_80 = arith.andi %and3A_63, %eq3A_79 : vector<16xi1>
        tpu.vector_store_idx %arg6[%select_n3A], %broadcast_in_dim3A_30 masked %and3A_80 {add = true} : memref<100000xf32, #tpu.memory_space<vmem>>[vector<16xi32>], vector<16xf32>, vector<16xi1>
        %eq3A_81 = arith.constant 3 : i32
        %eq3A_82 = vector.broadcast %eq3A_81 : i32 to vector<16xi32>
        %eq3A_83 = arith.cmpi eq, %iota3A, %eq3A_82 : vector<16xi32>
        %and3A_84 = arith.andi %and3A_63, %eq3A_83 : vector<16xi1>
        tpu.vector_store_idx %arg6[%select_n3A], %broadcast_in_dim3A_30 masked %and3A_84 {add = true} : memref<100000xf32, #tpu.memory_space<vmem>>[vector<16xi32>], vector<16xf32>, vector<16xi1>
        %eq3A_85 = arith.constant 4 : i32
        %eq3A_86 = vector.broadcast %eq3A_85 : i32 to vector<16xi32>
        %eq3A_87 = arith.cmpi eq, %iota3A, %eq3A_86 : vector<16xi32>
        %and3A_88 = arith.andi %and3A_63, %eq3A_87 : vector<16xi1>
        tpu.vector_store_idx %arg6[%select_n3A], %broadcast_in_dim3A_30 masked %and3A_88 {add = true} : memref<100000xf32, #tpu.memory_space<vmem>>[vector<16xi32>], vector<16xf32>, vector<16xi1>
        %eq3A_89 = arith.constant 5 : i32
        %eq3A_90 = vector.broadcast %eq3A_89 : i32 to vector<16xi32>
        %eq3A_91 = arith.cmpi eq, %iota3A, %eq3A_90 : vector<16xi32>
        %and3A_92 = arith.andi %and3A_63, %eq3A_91 : vector<16xi1>
        tpu.vector_store_idx %arg6[%select_n3A], %broadcast_in_dim3A_30 masked %and3A_92 {add = true} : memref<100000xf32, #tpu.memory_space<vmem>>[vector<16xi32>], vector<16xf32>, vector<16xi1>
        %eq3A_93 = arith.constant 6 : i32
        %eq3A_94 = vector.broadcast %eq3A_93 : i32 to vector<16xi32>
        %eq3A_95 = arith.cmpi eq, %iota3A, %eq3A_94 : vector<16xi32>
        %and3A_96 = arith.andi %and3A_63, %eq3A_95 : vector<16xi1>
        tpu.vector_store_idx %arg6[%select_n3A], %broadcast_in_dim3A_30 masked %and3A_96 {add = true} : memref<100000xf32, #tpu.memory_space<vmem>>[vector<16xi32>], vector<16xf32>, vector<16xi1>
        %eq3A_97 = arith.constant 7 : i32
        %eq3A_98 = vector.broadcast %eq3A_97 : i32 to vector<16xi32>
        %eq3A_99 = arith.cmpi eq, %iota3A, %eq3A_98 : vector<16xi32>
        %and3A_100 = arith.andi %and3A_63, %eq3A_99 : vector<16xi1>
        tpu.vector_store_idx %arg6[%select_n3A], %broadcast_in_dim3A_30 masked %and3A_100 {add = true} : memref<100000xf32, #tpu.memory_space<vmem>>[vector<16xi32>], vector<16xf32>, vector<16xi1>
        %eq3A_101 = arith.constant 8 : i32
        %eq3A_102 = vector.broadcast %eq3A_101 : i32 to vector<16xi32>
        %eq3A_103 = arith.cmpi eq, %iota3A, %eq3A_102 : vector<16xi32>
        %and3A_104 = arith.andi %and3A_63, %eq3A_103 : vector<16xi1>
        tpu.vector_store_idx %arg6[%select_n3A], %broadcast_in_dim3A_30 masked %and3A_104 {add = true} : memref<100000xf32, #tpu.memory_space<vmem>>[vector<16xi32>], vector<16xf32>, vector<16xi1>
        %eq3A_105 = arith.constant 9 : i32
        %eq3A_106 = vector.broadcast %eq3A_105 : i32 to vector<16xi32>
        %eq3A_107 = arith.cmpi eq, %iota3A, %eq3A_106 : vector<16xi32>
        %and3A_108 = arith.andi %and3A_63, %eq3A_107 : vector<16xi1>
        tpu.vector_store_idx %arg6[%select_n3A], %broadcast_in_dim3A_30 masked %and3A_108 {add = true} : memref<100000xf32, #tpu.memory_space<vmem>>[vector<16xi32>], vector<16xf32>, vector<16xi1>
        %eq3A_109 = arith.constant 10 : i32
        %eq3A_110 = vector.broadcast %eq3A_109 : i32 to vector<16xi32>
        %eq3A_111 = arith.cmpi eq, %iota3A, %eq3A_110 : vector<16xi32>
        %and3A_112 = arith.andi %and3A_63, %eq3A_111 : vector<16xi1>
        tpu.vector_store_idx %arg6[%select_n3A], %broadcast_in_dim3A_30 masked %and3A_112 {add = true} : memref<100000xf32, #tpu.memory_space<vmem>>[vector<16xi32>], vector<16xf32>, vector<16xi1>
        %eq3A_113 = arith.constant 11 : i32
        %eq3A_114 = vector.broadcast %eq3A_113 : i32 to vector<16xi32>
        %eq3A_115 = arith.cmpi eq, %iota3A, %eq3A_114 : vector<16xi32>
        %and3A_116 = arith.andi %and3A_63, %eq3A_115 : vector<16xi1>
        tpu.vector_store_idx %arg6[%select_n3A], %broadcast_in_dim3A_30 masked %and3A_116 {add = true} : memref<100000xf32, #tpu.memory_space<vmem>>[vector<16xi32>], vector<16xf32>, vector<16xi1>
        %eq3A_117 = arith.constant 12 : i32
        %eq3A_118 = vector.broadcast %eq3A_117 : i32 to vector<16xi32>
        %eq3A_119 = arith.cmpi eq, %iota3A, %eq3A_118 : vector<16xi32>
        %and3A_120 = arith.andi %and3A_63, %eq3A_119 : vector<16xi1>
        tpu.vector_store_idx %arg6[%select_n3A], %broadcast_in_dim3A_30 masked %and3A_120 {add = true} : memref<100000xf32, #tpu.memory_space<vmem>>[vector<16xi32>], vector<16xf32>, vector<16xi1>
        %eq3A_121 = arith.constant 13 : i32
        %eq3A_122 = vector.broadcast %eq3A_121 : i32 to vector<16xi32>
        %eq3A_123 = arith.cmpi eq, %iota3A, %eq3A_122 : vector<16xi32>
        %and3A_124 = arith.andi %and3A_63, %eq3A_123 : vector<16xi1>
        tpu.vector_store_idx %arg6[%select_n3A], %broadcast_in_dim3A_30 masked %and3A_124 {add = true} : memref<100000xf32, #tpu.memory_space<vmem>>[vector<16xi32>], vector<16xf32>, vector<16xi1>
        %eq3A_125 = arith.constant 14 : i32
        %eq3A_126 = vector.broadcast %eq3A_125 : i32 to vector<16xi32>
        %eq3A_127 = arith.cmpi eq, %iota3A, %eq3A_126 : vector<16xi32>
        %and3A_128 = arith.andi %and3A_63, %eq3A_127 : vector<16xi1>
        tpu.vector_store_idx %arg6[%select_n3A], %broadcast_in_dim3A_30 masked %and3A_128 {add = true} : memref<100000xf32, #tpu.memory_space<vmem>>[vector<16xi32>], vector<16xf32>, vector<16xi1>
        %eq3A_129 = arith.constant 15 : i32
        %eq3A_130 = vector.broadcast %eq3A_129 : i32 to vector<16xi32>
        %eq3A_131 = arith.cmpi eq, %iota3A, %eq3A_130 : vector<16xi32>
        %and3A_132 = arith.andi %and3A_63, %eq3A_131 : vector<16xi1>
        tpu.vector_store_idx %arg6[%select_n3A], %broadcast_in_dim3A_30 masked %and3A_132 {add = true} : memref<100000xf32, #tpu.memory_space<vmem>>[vector<16xi32>], vector<16xf32>, vector<16xi1>
      }
      %scan3A_45 = arith.constant 256 : i32
      %run_scoped3A = arith.constant 0 : i32
      "tpu.region"() ({
        %run_scoped3A_46 = tpu.sem_alloc : memref<!tpu.dma_semaphore, #tpu.memory_space<semaphore_mem>>
        %dma_start3A = arith.constant 0 : i32
        %dma_start3A_47 = tpu.memref_slice %arg3[%add3A, %run_scoped3A, %dma_start3A] : memref<32x1x100000xf32, #tpu.memory_space<hbm>> -> memref<1x1x100000xf32, #tpu.memory_space<hbm>>
        %dma_start3A_48 = tpu.memref_squeeze %dma_start3A_47 : memref<1x1x100000xf32, #tpu.memory_space<hbm>> -> memref<100000xf32, #tpu.memory_space<hbm>>
        %dma_start3A_49 = arith.constant 0 : i32
        %dma_start3A_50 = tpu.memref_slice %arg3[%add3A, %run_scoped3A, %dma_start3A_49] : memref<32x1x100000xf32, #tpu.memory_space<hbm>> -> memref<1x1x100000xf32, #tpu.memory_space<hbm>>
        %dma_start3A_51 = tpu.memref_squeeze %dma_start3A_50 : memref<1x1x100000xf32, #tpu.memory_space<hbm>> -> memref<100000xf32, #tpu.memory_space<hbm>>
        tpu.enqueue_dma source(%arg6 : memref<100000xf32, #tpu.memory_space<vmem>>) target(%dma_start3A_51 : memref<100000xf32, #tpu.memory_space<hbm>>) target_semaphore(%run_scoped3A_46 : memref<!tpu.dma_semaphore, #tpu.memory_space<semaphore_mem>>)
        %dma_wait3A = arith.constant 0 : i32
        %dma_wait3A_52 = tpu.memref_slice %arg3[%add3A, %run_scoped3A, %dma_wait3A] : memref<32x1x100000xf32, #tpu.memory_space<hbm>> -> memref<1x1x100000xf32, #tpu.memory_space<hbm>>
        %dma_wait3A_53 = tpu.memref_squeeze %dma_wait3A_52 : memref<1x1x100000xf32, #tpu.memory_space<hbm>> -> memref<100000xf32, #tpu.memory_space<hbm>>
        %dma_wait3A_54 = arith.constant 0 : i32
        %dma_wait3A_55 = tpu.memref_slice %arg3[%add3A, %run_scoped3A, %dma_wait3A_54] : memref<32x1x100000xf32, #tpu.memory_space<hbm>> -> memref<1x1x100000xf32, #tpu.memory_space<hbm>>
        %dma_wait3A_56 = tpu.memref_squeeze %dma_wait3A_55 : memref<1x1x100000xf32, #tpu.memory_space<hbm>> -> memref<100000xf32, #tpu.memory_space<hbm>>
        tpu.wait_dma2 semaphore(%run_scoped3A_46 : memref<!tpu.dma_semaphore, #tpu.memory_space<semaphore_mem>>) src(%arg6 : memref<100000xf32, #tpu.memory_space<vmem>>) dst(%dma_wait3A_56 : memref<100000xf32, #tpu.memory_space<hbm>>)
        tpu.yield
      }) : () -> ()
    } else {
    }
    return
  }
}

module attributes {stable_mosaic.version = 14 : i64} {
  func.func @_tc_fill_body(%arg0: memref<1xf32, #tpu.memory_space<smem>>, %arg1: memref<32x4096xi32, #tpu.memory_space<vmem>>, %arg2: memref<32x1x100000xf32, #tpu.memory_space<vmem>>) attributes {dimension_semantics = [], scalar_prefetch = 0 : i64, scratch_operands = 0 : i64, tpu.core_type = #tpu.core_type<tc>} {
    %get3A = arith.constant 0 : index
    %get3A_0 = memref.load %arg0[%get3A] : memref<1xf32, #tpu.memory_space<smem>>
    %get3A_1 = arith.constant 0 : index
    %get3A_2 = arith.constant 0 : index
    %get3A_3 = vector.load %arg1[%get3A_1, %get3A_2] : memref<32x4096xi32, #tpu.memory_space<vmem>>, vector<32x4096xi32>
    %slice3A = vector.extract_strided_slice %get3A_3 {offsets = [0, 4094], sizes = [32, 1], strides = [1, 1]} : vector<32x4096xi32> to vector<32x1xi32>
    %slice3A_4 = vector.extract_strided_slice %get3A_3 {offsets = [0, 4095], sizes = [32, 1], strides = [1, 1]} : vector<32x4096xi32> to vector<32x1xi32>
    %slice3A_5 = vector.extract_strided_slice %get3A_3 {offsets = [0, 0], sizes = [32, 4094], strides = [1, 1]} : vector<32x4096xi32> to vector<32x4094xi32>
    %eq3A = vector.broadcast %slice3A : vector<32x1xi32> to vector<32x4094xi32>
    %eq3A_6 = arith.cmpi eq, %slice3A_5, %eq3A : vector<32x4094xi32>
    %slice3A_7 = vector.extract_strided_slice %get3A_3 {offsets = [0, 1], sizes = [32, 4094], strides = [1, 1]} : vector<32x4096xi32> to vector<32x4094xi32>
    %eq3A_8 = vector.broadcast %slice3A_4 : vector<32x1xi32> to vector<32x4094xi32>
    %eq3A_9 = arith.cmpi eq, %slice3A_7, %eq3A_8 : vector<32x4094xi32>
    %and3A = arith.andi %eq3A_6, %eq3A_9 : vector<32x4094xi1>
    %convert_element_type3A = arith.extui %and3A : vector<32x4094xi1> to vector<32x4094xi32>
    %convert_element_type3A_10 = arith.sitofp %convert_element_type3A : vector<32x4094xi32> to vector<32x4094xf32>
    %reduce_sum3A = arith.constant dense<0.000000e+00> : vector<32xf32>
    %reduce_sum3A_11 = vector.multi_reduction <add>, %convert_element_type3A_10, %reduce_sum3A [1] : vector<32x4094xf32> to vector<32xf32>
    %broadcast_in_dim3A = vector.shape_cast %reduce_sum3A_11 : vector<32xf32> to vector<32x1xf32>
    %mul3A = arith.constant 1.000000e+05 : f32
    %mul3A_12 = arith.mulf %get3A_0, %mul3A : f32
    %add3A = vector.broadcast %mul3A_12 : f32 to vector<32x1xf32>
    %add3A_13 = arith.addf %add3A, %broadcast_in_dim3A : vector<32x1xf32>
    %log3A = math.log %add3A_13 : vector<32x1xf32>
    %broadcast_in_dim3A_14 = vector.shape_cast %log3A : vector<32x1xf32> to vector<32x1x1xf32>
    %broadcast_in_dim3A_15 = vector.broadcast %broadcast_in_dim3A_14 : vector<32x1x1xf32> to vector<32x1x100000xf32>
    %broadcast_in_dim3A_16 = vector.broadcast %get3A_0 : f32 to vector<32x1xf32>
    %log3A_17 = math.log %broadcast_in_dim3A_16 : vector<32x1xf32>
    %broadcast_in_dim3A_18 = vector.shape_cast %log3A_17 : vector<32x1xf32> to vector<32x1x1xf32>
    %broadcast_in_dim3A_19 = vector.broadcast %broadcast_in_dim3A_18 : vector<32x1x1xf32> to vector<32x1x100000xf32>
    %sub3A = arith.subf %broadcast_in_dim3A_19, %broadcast_in_dim3A_15 : vector<32x1x100000xf32>
    %swap3A = arith.constant 0 : index
    %swap3A_20 = arith.constant 0 : index
    %swap3A_21 = arith.constant 0 : index
    %swap3A_22 = vector.load %arg2[%swap3A, %swap3A_20, %swap3A_21] : memref<32x1x100000xf32, #tpu.memory_space<vmem>>, vector<32x1x100000xf32>
    tpu.vector_store %arg2[%swap3A, %swap3A_20, %swap3A_21], %sub3A {strides = array<i32>} : memref<32x1x100000xf32, #tpu.memory_space<vmem>>, vector<32x1x100000xf32>,
    return
  }
}

module attributes {stable_mosaic.version = 14 : i64} {
  func.func @_tc_patch_body(%arg0: memref<1xf32, #tpu.memory_space<smem>>, %arg1: memref<32x16xf32, #tpu.memory_space<vmem>>, %arg2: memref<32x1x100000xf32, #tpu.memory_space<any>>, %arg3: memref<32x1x100000xf32, #tpu.memory_space<any>>, %arg4: memref<32x1x100000xf32, #tpu.memory_space<any>>, %arg5: memref<32x1x100000xf32, #tpu.memory_space<vmem>>, %arg6: memref<!tpu.dma_semaphore, #tpu.memory_space<semaphore_mem>>) attributes {dimension_semantics = [], scalar_prefetch = 0 : i64, scratch_operands = 2 : i64, tpu.core_type = #tpu.core_type<tc>} {
    %get3A = arith.constant 0 : index
    %get3A_0 = arith.constant 0 : index
    %get3A_1 = vector.load %arg1[%get3A, %get3A_0] : memref<32x16xf32, #tpu.memory_space<vmem>>, vector<32x1xf32>
    %reduce_max3A = vector.shape_cast %get3A_1 : vector<32x1xf32> to vector<1x32x1xf32>
    %reduce_max3A_2 = arith.constant dense<0xFF800000> : vector<1xf32>
    %reduce_max3A_3 = vector.multi_reduction <maximumf>, %reduce_max3A, %reduce_max3A_2 [1, 2] : vector<1x32x1xf32> to vector<1xf32>
    %reduce_max3A_4 = vector.shape_cast %reduce_max3A_3 : vector<1xf32> to vector<1x1x1xf32>
    %reduce_max3A_5 = vector.extract %reduce_max3A_4[0, 0, 0] : f32 from vector<1x1x1xf32>
    %gt3A = arith.constant 0.000000e+00 : f32
    %gt3A_6 = arith.cmpf ogt, %reduce_max3A_5, %gt3A : f32
    %convert_element_type3A = arith.extui %gt3A_6 : i1 to i32
    %cond3A = arith.constant 0 : i32
    %cond3A_7 = arith.cmpi ne, %convert_element_type3A, %cond3A : i32
    scf.if %cond3A_7 {
      %get3A_8 = arith.constant 0 : index
      %get3A_9 = memref.load %arg0[%get3A_8] : memref<1xf32, #tpu.memory_space<smem>>
      tpu.enqueue_dma source(%arg2 : memref<32x1x100000xf32, #tpu.memory_space<any>>) target(%arg5 : memref<32x1x100000xf32, #tpu.memory_space<vmem>>) target_semaphore(%arg6 : memref<!tpu.dma_semaphore, #tpu.memory_space<semaphore_mem>>)
      tpu.wait_dma2 semaphore(%arg6 : memref<!tpu.dma_semaphore, #tpu.memory_space<semaphore_mem>>) src(%arg2 : memref<32x1x100000xf32, #tpu.memory_space<any>>) dst(%arg5 : memref<32x1x100000xf32, #tpu.memory_space<vmem>>)
      %mul3A = arith.constant 1.000000e+05 : f32
      %mul3A_10 = arith.mulf %get3A_9, %mul3A : f32
      %add3A = vector.broadcast %mul3A_10 : f32 to vector<32x1xf32>
      %add3A_11 = arith.addf %add3A, %get3A_1 : vector<32x1xf32>
      %log3A = math.log %add3A_11 : vector<32x1xf32>
      %broadcast_in_dim3A = vector.shape_cast %log3A : vector<32x1xf32> to vector<32x1x1xf32>
      %broadcast_in_dim3A_12 = vector.broadcast %broadcast_in_dim3A : vector<32x1x1xf32> to vector<32x1x100000xf32>
      %broadcast_in_dim3A_13 = vector.broadcast %get3A_9 : f32 to vector<32x1xf32>
      %log3A_14 = math.log %broadcast_in_dim3A_13 : vector<32x1xf32>
      %broadcast_in_dim3A_15 = vector.shape_cast %log3A_14 : vector<32x1xf32> to vector<32x1x1xf32>
      %broadcast_in_dim3A_16 = vector.broadcast %broadcast_in_dim3A_15 : vector<32x1x1xf32> to vector<32x1x100000xf32>
      %sub3A = arith.subf %broadcast_in_dim3A_16, %broadcast_in_dim3A_12 : vector<32x1x100000xf32>
      %get3A_17 = arith.constant 0 : index
      %get3A_18 = arith.constant 0 : index
      %get3A_19 = arith.constant 0 : index
      %get3A_20 = vector.load %arg5[%get3A_17, %get3A_18, %get3A_19] : memref<32x1x100000xf32, #tpu.memory_space<vmem>>, vector<32x1x100000xf32>
      %add3A_21 = vector.broadcast %get3A_9 : f32 to vector<32x1x100000xf32>
      %add3A_22 = arith.addf %get3A_20, %add3A_21 : vector<32x1x100000xf32>
      %log3A_23 = math.log %add3A_22 : vector<32x1x100000xf32>
      %sub3A_24 = arith.subf %log3A_23, %broadcast_in_dim3A_12 : vector<32x1x100000xf32>
      %eq3A = arith.constant 0.000000e+00 : f32
      %eq3A_25 = vector.broadcast %eq3A : f32 to vector<32x1xf32>
      %eq3A_26 = arith.cmpf oeq, %get3A_1, %eq3A_25 : vector<32x1xf32>
      %broadcast_in_dim3A_27 = vector.shape_cast %eq3A_26 : vector<32x1xi1> to vector<32x1x1xi1>
      %broadcast_in_dim3A_28 = vector.broadcast %broadcast_in_dim3A_27 : vector<32x1x1xi1> to vector<32x1x100000xi1>
      %select_n3A = arith.select %broadcast_in_dim3A_28, %sub3A, %sub3A_24 : vector<32x1x100000xi1>, vector<32x1x100000xf32>
      %swap3A = arith.constant 0 : index
      %swap3A_29 = arith.constant 0 : index
      %swap3A_30 = arith.constant 0 : index
      %swap3A_31 = vector.load %arg5[%swap3A, %swap3A_29, %swap3A_30] : memref<32x1x100000xf32, #tpu.memory_space<vmem>>, vector<32x1x100000xf32>
      tpu.vector_store %arg5[%swap3A, %swap3A_29, %swap3A_30], %select_n3A {strides = array<i32>} : memref<32x1x100000xf32, #tpu.memory_space<vmem>>, vector<32x1x100000xf32>,
      tpu.enqueue_dma source(%arg5 : memref<32x1x100000xf32, #tpu.memory_space<vmem>>) target(%arg4 : memref<32x1x100000xf32, #tpu.memory_space<any>>) target_semaphore(%arg6 : memref<!tpu.dma_semaphore, #tpu.memory_space<semaphore_mem>>)
      tpu.wait_dma2 semaphore(%arg6 : memref<!tpu.dma_semaphore, #tpu.memory_space<semaphore_mem>>) src(%arg5 : memref<32x1x100000xf32, #tpu.memory_space<vmem>>) dst(%arg4 : memref<32x1x100000xf32, #tpu.memory_space<any>>)
    } else {
    }
    return
  }
}

</mosaic_0001>

<sc_bundles>
// kernel: kernel.5.cloned.1.call-start
scs
__scs_entry_jumppad:
0x0: {  	(pc) =	sbr.rel $0x88, $3  }
0x1: {  	(tag) =	ssettag $0x0;
	lr =	simm.s32 $0x1  }
0x2: {  	[smem:$0x3F9F] =	sst lr;
	_ =	strace $0xD0000000  }
0x3: {  	_ = 	snop  }
0x4: {  	_ = 	snop  }
0x5: {  	_ = 	snop  }
0x6: {  	_ = 	snop  }
0x7: {  	_ = 	snop  }
__scs_overlays_trampoline_lowered:
0x8: {  	[smem:$0x3FAE] =	sst s0  }
0x9: {  	[smem:$0x3FAF] =	sst s1  }
0xa: {  	[smem:$0x3FB0] =	sst s2  }
0xb: {  	[smem:$0x3FB1] =	sst s3  }
0xc: {  	[smem:$0x3FB2] =	sst s4  }
0xd: {  	[smem:$0x3FB3] =	sst s5  }
0xe: {  	[smem:$0x3FB4] =	sst s6  }
0xf: {  	[smem:$0x3FB5] =	sst s7  }
0x10: {  	[smem:$0x3FB6] =	sst s8  }
0x11: {  	[smem:$0x3FB7] =	sst s9;
	s0 =	simm.s32 @!p0 $0x0  }
0x12: {  	s1 =	sld [smem:$0x3F9D];
	s0 =	simm.s32 @p0 $0x1  }
0x13: {  	[smem:$0x3FB8] =	sst s0;
	s0 =	simm.s32 @!p1 $0x0  }
0x14: {  	s2 =	sld [smem:$0x3F9C];
	s0 =	simm.s32 @p1 $0x1  }
0x15: {  	[smem:$0x3FB9] =	sst s0;
	s0 =	simm.s32 @!p2 $0x0  }
0x16: {  	s3 =	sld [smem:$0x3FDB];
	s0 =	simm.s32 @p2 $0x1  }
0x17: {  	s4 =	simm.s32 $0x1BF5;
	[smem:$0x3FBB] =	sst s0  }
0x18: {  	s0 =	sld [smem:$0x3F9E];
	_ =	swait.ge [sflag:s4], $0x0  }
0x19: {  	s7 =	sld [smem:$0x3F9F]  }
0x1a: {  	s8 =	sadd.s32 $0xFFFFE003, lr  }
0x1b: {  	s9 =	sadd.s32 $0xFFFFFEF7, lr;
	s5 =	simm.s32 $0xFFFFFFFF;
	p2 =	slt.u32 s8, $0xFFFFF086  }
0x1c: {  	p1 =	slt.u32 s9, $0xF7A;
	s5 =	simm.s32 @!p2 $0x0  }
0x1d: {  	s5 =	simm.s32 @p1 $0x1;
	p0 =	seq.s32 s7, s2  }
0x1e: {  	s7 =	smul.u32 @!p0 $0xF7A, s2;
	p2 =	seq.s32 @!p0 s5, $0x0  }
0x1f: {  	s9 =	smul.u32 $0xF7A, s1;
	s8 =	simm.s32 @!p0 $0x1BF5;
	p2 =	por !p2, p0  }
0x20: {  	[sflag:s8] =	ssyncset.s32 @!p0 $0xFFFFF086;
	s6 =	sadd.s32 @!p0 s3, s7;
	s7 =	simm.s32 @!p0 $0x108  }
0x21: {  	s3 =	sadd.s32 s3, s9;
	s6 =	sadd.s32 @!p0 $0x88, s6;
	s7 =	simm.s32 @p2 $0x1082  }
0x22: {  	[simem:s7], [sflag:s8] =	dma.local @!p0 [hbm:s6], $0xF7A  }
0x23: {  	s9 =	sor.u32 $0xD0000000, s2;
	s6 =	simm.s32 $0x108;
	_ =	swait.ge @!p0 [sflag:s8], $0x0  }
0x24: {  	s3 =	sadd.s32 $0x88, s3;
	s6 =	simm.s32 @!p1 $0x1082;
	[sflag:s4] =	ssyncset.s32 $0xFFFFF086  }
0x25: {  	[simem:s6], [sflag:s4] =	dma.local [hbm:s3], $0xF7A  }
0x26: {  	[smem:$0x3F9F] =	sst s1;
	(tag) =	ssettag s2;
	_ =	strace s9  }
0x27: {  	s1 =	sld [smem:$0x3FAF]  }
0x28: {  	s2 =	sld [smem:$0x3FB0]  }
0x29: {  	s4 =	sld [smem:$0x3FB2]  }
0x2a: {  	p0 =	seq.s32 s5, $0x0;
	s5 =	sld [smem:$0x3FB3]  }
0x2b: {  	s6 =	sld [smem:$0x3FB4]  }
0x2c: {  	s7 =	sld [smem:$0x3FB5]  }
0x2d: {  	s3 =	simm.s32 $0x108;
	s8 =	sld [smem:$0x3FB6]  }
0x2e: {  	s3 =	simm.s32 @!p0 $0x1082;
	s9 =	sld [smem:$0x3FB7]  }
0x2f: {  	lr =	sadd.s32 s0, s3;
	s0 =	sld [smem:$0x3FAE]  }
0x30: {  	s3 =	sld [smem:$0x3FB1]  }
0x31: {  	[smem:$0x3FBA] =	sst s10  }
0x32: {  	s10 =	sld [smem:$0x3FB8];
	_ =	sdelay $0x3  }
0x33: {  	p0 =	seq.s32 s10, $0x1;
	s10 =	sld [smem:$0x3FBA];
	_ =	sdelay $0x3  }
0x34: {  	[smem:$0x3FBA] =	sst s10  }
0x35: {  	s10 =	sld [smem:$0x3FB9];
	_ =	sdelay $0x3  }
0x36: {  	p1 =	seq.s32 s10, $0x1;
	s10 =	sld [smem:$0x3FBA];
	_ =	sdelay $0x3  }
0x37: {  	[smem:$0x3FBA] =	sst s10  }
0x38: {  	s10 =	sld [smem:$0x3FBB]  }
0x39: {  	_ = 	snop;
	(pc) =	sbr.ind lr, $3  }
0x3a: {  	_ = 	snop  }
0x3b: {  	_ = 	snop  }
0x3c: {  	p2 =	seq.s32 s10, $0x1;
	s10 =	sld [smem:$0x3FBA]  }
0x3d: {  	_ =	shalt  }
0x3e: {  	_ =	shalt  }
0x3f: {  	_ =	shalt  }
0x40: {  	_ =	shalt  }
0x41: {  	_ =	shalt  }
0x42: {  	_ =	shalt  }
0x43: {  	_ =	shalt  }
0x44: {  	_ =	shalt  }
0x45: {  	_ =	shalt  }
0x46: {  	_ =	shalt  }
0x47: {  	_ =	shalt  }
0x48: {  	_ =	shalt  }
0x49: {  	_ =	shalt  }
0x4a: {  	_ =	shalt  }
0x4b: {  	_ =	shalt  }
0x4c: {  	_ =	shalt  }
0x4d: {  	_ =	shalt  }
0x4e: {  	_ =	shalt  }
0x4f: {  	_ =	shalt  }
0x50: {  	_ =	shalt  }
0x51: {  	_ =	shalt  }
0x52: {  	_ =	shalt  }
0x53: {  	_ =	shalt  }
0x54: {  	_ =	shalt  }
0x55: {  	_ =	shalt  }
0x56: {  	_ =	shalt  }
0x57: {  	_ =	shalt  }
0x58: {  	_ =	shalt  }
0x59: {  	_ =	shalt  }
0x5a: {  	_ =	shalt  }
0x5b: {  	_ =	shalt  }
0x5c: {  	_ =	shalt  }
0x5d: {  	_ =	shalt  }
0x5e: {  	_ =	shalt  }
0x5f: {  	_ =	shalt  }
0x60: {  	_ =	shalt  }
0x61: {  	_ =	shalt  }
0x62: {  	_ =	shalt  }
0x63: {  	_ =	shalt  }
0x64: {  	_ =	shalt  }
0x65: {  	_ =	shalt  }
0x66: {  	_ =	shalt  }
0x67: {  	_ =	shalt  }
0x68: {  	_ =	shalt  }
0x69: {  	_ =	shalt  }
0x6a: {  	_ =	shalt  }
0x6b: {  	_ =	shalt  }
0x6c: {  	_ =	shalt  }
0x6d: {  	_ =	shalt  }
0x6e: {  	_ =	shalt  }
0x6f: {  	_ =	shalt  }
0x70: {  	_ =	shalt  }
0x71: {  	_ =	shalt  }
0x72: {  	_ =	shalt  }
0x73: {  	_ =	shalt  }
0x74: {  	_ =	shalt  }
0x75: {  	_ =	shalt  }
0x76: {  	_ =	shalt  }
0x77: {  	_ =	shalt  }
0x78: {  	_ =	shalt  }
0x79: {  	_ =	shalt  }
0x7a: {  	_ =	shalt  }
0x7b: {  	_ =	shalt  }
0x7c: {  	_ =	shalt  }
0x7d: {  	_ =	shalt  }
0x7e: {  	_ =	shalt  }
0x7f: {  	_ =	shalt  }
0x80: {  	_ =	shalt  }
0x81: {  	_ =	shalt  }
0x82: {  	_ =	shalt  }
0x83: {  	_ =	shalt  }
0x84: {  	_ =	shalt  }
0x85: {  	_ =	shalt  }
0x86: {  	_ =	shalt  }
0x87: {  	_ =	shalt  }
.Lfunc_end0:
.L_simem_size_0:
called_computation_lowered:
.L_overlay_start_0:
0x88: {  	s2 =	sld [smem:$0x3FD9]  }
0x89: {  	s3 =	sld [smem:$0x3FFE];
	_ =	sdelay $0x1  }
0x8a: {  	s1 =	srdreg.scid  }
0x8b: {  	s0 =	sand.u32 $0x1, s1  }
0x8c: {  	s17 =	sshll.u32 s0, $0xA;
	s2 =	sadd.s32 s3, s2  }
0x8d: {  	s2 =	sadd.s32 s2, s17  }
0x8e: {  	[smem:$0x3FC6] =	sst s2  }
0x8f: {  	_ = 	snop  }
0x90: {  	s2 =	sld [smem:$0x3FC9];
	(tm) =	ssettm $0x1  }
0x91: {  	s18 =	sld [smem:$0x3FFB];
	_ =	sdelay $0x3  }
0x92: {  	_ =	strace s18  }
0x93: {  	s3 =	sld [smem:$0x3FFC];
	_ =	sdelay $0x3  }
0x94: {  	_ =	strace s3  }
0x95: {  	s3 =	sld [smem:$0x3FFD];
	_ =	sdelay $0x3  }
0x96: {  	_ =	strace s3  }
0x97: {  	_ =	strace $0x8FFFFFFF  }
0x98: {  	s19 =	sld [smem:$0x3FDB];
	_ =	sdelay $0x1  }
0x99: {  	s4 =	simm.s32 $_scs_section_size  }
0x9a: {  	s5 =	simm.s32 $_size__tile_overlayer_lowered;
	s6 =	simm.s32 $_tile_overlayer_lowered  }
0x9b: {  	s22 =	simm.s32 $0x1BFF;
	s21 =	sshll.u32 s6, $0x1;
	s3 =	sadd.s32 s4, s19  }
0x9c: {  	s7 =	simm.s32 $0x0;
	s20 =	sshll.u32 s5, $0x1;
	s5 =	sadd.s32 s21, s3  }
0x9d: {  	[timem:s7], [sflag:s22] =	dma.local [hbm:s5], s20  }
0x9e: {  	_ =	swait.ge [sflag:s22], s20  }
0x9f: {  	s4 =	ssub.s32 $0x0, s20;
	[sflag:s22] =	ssyncset.done $0x0  }
0xa0: {  	[sflag:s22] =	ssyncadd.s32 s4;
	_ =	sdelay $0x1  }
0xa1: {  	s23 =	simm.s32 $0x1B8B  }
0xa2: {  	_ =	swait.ge [sflag:s23], $0x1  }
0xa3: {  	[sflag:s23] =	ssyncset.done $0x0  }
0xa4: {  	s25 =	simm.s32 $0x1B8E;
	s24 =	sld [smem:$0x3FFE];
	[sflag:s23] =	ssyncadd.s32 $0xFFFFFFFF  }
0xa5: {  	s26 =	simm.s32 $execute0_lowered;
	[smem:$0x3FD2] =	sst s25  }
0xa6: {  	s5 =	sshll.u32 s26, $0x1;
	_ =	strace $0x80000046;
	[dreg:$0x1] =	wrdreg $0xFFFFFFFF  }
0xa7: {  	s28 =	simm.s32 $_size_execute0_lowered;
	s3 =	sadd.s32 s3, s5;
	[dreg:$0x0] =	wrdreg $0x0  }
0xa8: {  	s5 =	sshll.u32 s28, $0x1;
	[dreg:$0x2] =	wrdreg s3  }
0xa9: {  	[dreg:$0x3] =	wrdreg s5  }
0xaa: {  	[dreg:$0x4] =	wrdreg $0xC0  }
0xab: {  	_ =	task [dreg:s7], $0x5FFFF  }
0xac: {  	[dreg:$0x1] =	wrdreg $0xFFFFFFFF  }
0xad: {  	[dreg:$0x0] =	wrdreg $0x60  }
0xae: {  	[dreg:$0x2] =	wrdreg s2  }
0xaf: {  	[dreg:$0x3] =	wrdreg s24  }
0xb0: {  	[dreg:$0x4] =	wrdreg $0x9  }
0xb1: {  	_ =	task.clear_ibuf [dreg:s7], $0x5FFFF;
	_ =	strace $0x90000046  }
0xb2: {  	s29 =	simm.s32 $0x9;
	_ =	strace $0x80000048  }
0xb3: {  	_ =	swait.ge [sflag:s29], $0x1  }
0xb4: {  	[sflag:s29] =	ssyncadd.s32 $0xFFFFFFFF  }
0xb5: {  	_ =	strace $0x90000048  }
0xb6: {  	_ =	sfence  }
0xb7: {  	s30 =	sld [smem:$0x0];
	_ =	sdelay $0x2  }
0xb8: {  	s31 =	sshll.u32 s1, $0xD;
	s1 =	sshrl.u32 s1, $0x2  }
0xb9: {  	s3 =	sand.u32 $0x4000, s31;
	s1 =	sadd.s32 s1, s30  }
0xba: {  	s0 =	sor.u32 s3, s0;
	s1 =	sshll.u32 s1, $0x11  }
0xbb: {  	s0 =	sor.u32 s1, s0  }
0xbc: {  	s0 =	sadd.s32 $0x8F2B, s0  }
0xbd: {  	[sflag:s0] =	ssyncadd.remote.s32 $0x1  }
0xbe: {  	_ =	sfence.sel $0xFFFF  }
0xbf: {  	[dreg:$0x0] =	wrdreg $0xFFFFFFFF;
	(pc) =	sbr.abs _section_cstart, $3  }
0xc0: {  	[dreg:$0x1] =	wrdreg $0xFFFFFFFF  }
0xc1: {  	_ =	task.clear_ibuf [dreg:s7], $0x2FFFF;
	_ =	strace $0x9FFFFFFF  }
0xc2: {  	(tm) =	ssettm $0x7FFFFFFF  }
0xc3: {  	_ =	shalt  }
tec
execute0_lowered:
.L_overlay_start_1:
0x0: {  	(tag) =	ssettag $0x1  }
0x1: {  	s3 =	rddreg [dreg:$0x0];
	s1 =	srdreg.scid  }
0x2: {  	s0 =	stileid.u32;
	s4 =	rddreg [dreg:$0x1]  }
0x3: {  	s2 =	simm.s32 $0x0;
	s10 =	simm.s32 $0x19780;
	s11 =	simm.s32 $0x1080  }
0x4: {  	s12 =	simm.s32 $0x0;
	s5 =	sand.u32 $0x1, s1;
	s1 =	rddreg [dreg:$0x2]  }
0x5: {  	s6 =	sshll.u32 s0, $0x1;
	[smem:$0x7FF] =	sst s2;
	s8 =	sshrl.u32 s0, $0x2  }
0x6: {  	s6 =	sor.u32 s5, s6;
	_ =	strace $0x80000047;
	s9 =	sshll.u32 s8, $0xA  }
0x7: {  	s5 =	ssub.s32 $0x2, s5;
	s7 =	smul.u32 $0x30E0, s6;
	s6 =	sshll.u32 s6, $0x7  }
0x8: {  	v0 =	vlaneseq.u32;
	s8 =	sshll.u32 s8, $0xF;
	s30 =	sshrl.u32 s5, $0x1;
	s6 =	sand.u32 $0x380, s6  }
.Ltmp0:
0x9: {  	vm0 =	vmmov $0x3fff;
	vm1 =	vmmov $0x1;
	v2 =	vimm.f32 $1.000000000e+00;
	s31 =	ssub.s32 s5, s30;
	s7 =	sadd.s32 s7, s4;
	(pc) =	sbr.rel .LBB2_1-.Ltmp0, $4  }
0xa: {  	vm14 =	vcmask $0x1F1C;
	vm15 =	vcmask $0x2320;
	vm10 =	vcmask $0xB08;
	s9 =	sor.u32 s9, s6;
	s6 =	sor.u32 s8, s6;
	s8 =	simm.s32 $0x400  }
0xb: {  	vm11 =	vcmask $0xF0C;
	v1 =	vmul.u32 $0xFFFFFFFF, v0;
	v0 =	vimm.s32 $0x0;
	s29 =	sshrl.u32 s9, $0x3;
	s6 =	sshrl.u32 s6, $0x3;
	s5 =	sadd.s32 $0xE00, s7  }
0xc: {  	vm12 =	vcmask $0x1310;
	vm13 =	vcmask $0x1714;
	v0 =	vsel vm0, $0xFFFFFFFF, v0;
	s7 =	simm.s32 $0x80;
	s9 =	simm.s32 $0x1;
	s4 =	sadd.s32 s29, s4  }
0xd: {  	vm0 =	vcmask $0x2724;
	[tilespmem:$0x1FFF0] =	vst v0;
	v0 =	vimm.f32 $0.0e+00;
	v1 =	vadd.s32 $0xFFE, v1;
	s3 =	sadd.s32 s3, s6;
	s6 =	smax.u32 s31, $0x1;
	s4 =	sadd.s32 $0xC00, s4  }
.LBB2_7:
0xe: {  	_ =	sdelay $0x4  }
0xf: {  	[tilespmem:v5+s11+$0x0] =	vst.idx.add.f32.msk vm2, v2  }
0x10: {  	[hbm4b:s5+s2] =	stream.linear.scatter [tilespmem:s11], [sflag:$0x1], $0x18700, $0x38;
	[tilespmem:$0x19800] =	vst v63  }
0x11: {  	_ =	swait.ge [sflag:s9], $0x18700  }
0x12: {  	vm14 =	vmmov vm15;
	[sflag:s9] =	ssyncset.done $0x0  }
0x13: {  	vm15 =	vmmov vm0;
	vm0 =	vmmov vm1;
	vm1 =	vmmov vm9;
	[sflag:s9] =	ssyncadd.s32 $0xFFFE7900  }
.LBB2_8:
0x14: {  	s12 =	sadd.s32 $0x1, s12  }
0x15: {  	p0 =	sne.s32 s12, s6  }
.Ltmp1:
0x16: {  	_ = 	snop;
	(pc) =	sbr.rel @!p0 .LBB2_9-.Ltmp1, $1  }
0x17: {  	_ =	sdelay $0x3  }
.LBB2_1:
0x18: {  	[tilespmem:s2], [sflag:$0x1] =	stream.strided.gather [hbm4b:s3+s7], $0x1000, s8, s7, $0x38;
	[tilespmem:$0x19800] =	vst v63  }
0x19: {  	_ =	swait.ge [sflag:s9], $0x1000  }
0x1a: {  	[sflag:s9] =	ssyncset.done $0x0  }
0x1b: {  	[sflag:s9] =	ssyncadd.s32 $0xFFFFF000  }
0x1c: {  	s14 =	simm.s32 $0x0;
	v5 =	vld [tilespmem:$0xFF0]  }
0x1d: {  	v7 =	vld [tilespmem:s14+$0x40]  }
0x1e: {  	v8 =	vld [tilespmem:s14+$0x41]  }
0x1f: {  	v9 =	vld [tilespmem:s14+$0x30]  }
0x20: {  	v10 =	vld [tilespmem:s14+$0x20]  }
0x21: {  	v11 =	vld [tilespmem:s14+$0x10]  }
0x22: {  	v12 =	vld [tilespmem:s14+$0x0]  }
0x23: {  	v13 =	vld [tilespmem:s14+$0x1]  }
0x24: {  	v14 =	vld [tilespmem:s14+$0x11]  }
0x25: {  	v15 =	vld [tilespmem:s14+$0x21];
	v3 =	vbroadcast v5, $0xE;
	v4 =	vbroadcast v5, $0xF  }
0x26: {  	v16 =	vimm.s32 $0x0;
	s13 =	simm.s32 $0x50;
	v17 =	vld [tilespmem:s14+$0x31]  }
0x27: {  	v6 =	vld [tilespmem:s13+$0x40];
	vm5 =	veq.s32 v9, v3;
	vm2 =	veq.s32 v7, v3;
	vm3 =	veq.s32 v8, v4  }
0x28: {  	v7 =	vld [tilespmem:s13+$0x41];
	vm7 =	veq.s32 v12, v3;
	vm4 =	veq.s32 v13, v4;
	vm6 =	veq.s32 v10, v3  }
0x29: {  	v10 =	vld [tilespmem:s13+$0x30];
	vm8 =	veq.s32 v11, v3;
	vm7 =	vmand vm7, vm4;
	vm4 =	veq.s32 v14, v4  }
0x2a: {  	v8 =	vld [tilespmem:s13+$0x20];
	v13 =	vmpcnt.ones.xlane vm7;
	vm4 =	vmand vm8, vm4;
	vm7 =	veq.s32 v15, v4  }
0x2b: {  	v9 =	vld [tilespmem:s13+$0x10];
	v12 =	vmpcnt.ones.xlane vm4;
	vm4 =	vmand vm6, vm7;
	vm6 =	veq.s32 v17, v4  }
0x2c: {  	s14 =	simm.s32 $0x280;
	v11 =	vld [tilespmem:s13+$0x0];
	v14 =	vadd.s32 v16, v13;
	v13 =	vmpcnt.ones.xlane vm4;
	vm4 =	vmand vm5, vm6  }
.LBB2_2:
0x2d: {  	p0 =	sne.s32 s14, $0x3E80;
	v15 =	vld [tilespmem:s13+$0x1];
	v12 =	vadd.s32 v12, v14;
	v14 =	vmpcnt.ones.xlane vm4;
	vm2 =	vmand vm2, vm3  }
0x2e: {  	v16 =	vld [tilespmem:s13+$0x11];
	v12 =	vadd.s32 v13, v12;
	v13 =	vmpcnt.ones.xlane vm2  }
0x2f: {  	v17 =	vld [tilespmem:s13+$0x21];
	v12 =	vadd.s32 v14, v12  }
0x30: {  	v14 =	vld [tilespmem:s13+$0x31];
	s13 =	sshra.s32 s14, $0x2;
	v13 =	vadd.s32 v13, v12  }
0x31: {  	vm3 =	veq.s32 v7, v4;
	vm4 =	veq.s32 v10, v3;
	vm2 =	veq.s32 v6, v3;
	v6 =	vld [tilespmem:s13+$0x40]  }
.Ltmp2:
0x32: {  	vm7 =	veq.s32 v8, v3;
	vm5 =	veq.s32 v11, v3;
	v7 =	vld [tilespmem:s13+$0x41];
	vm6 =	veq.s32 v15, v4;
	(pc) =	sbr.rel @p0 .LBB2_2-.Ltmp2, $4  }
0x33: {  	v10 =	vld [tilespmem:s13+$0x30];
	vm5 =	vmand vm5, vm6;
	vm6 =	veq.s32 v9, v3;
	vm8 =	veq.s32 v16, v4  }
0x34: {  	v8 =	vld [tilespmem:s13+$0x20];
	v15 =	vmpcnt.ones.xlane vm5;
	vm5 =	vmand vm6, vm8;
	vm6 =	veq.s32 v17, v4  }
0x35: {  	v9 =	vld [tilespmem:s13+$0x10];
	v12 =	vmpcnt.ones.xlane vm5;
	vm5 =	vmand vm7, vm6;
	vm6 =	veq.s32 v14, v4  }
0x36: {  	s14 =	sadd.s32 $0x140, s14;
	v11 =	vld [tilespmem:s13+$0x0];
	v14 =	vadd.s32 v13, v15;
	v13 =	vmpcnt.ones.xlane vm5;
	vm4 =	vmand vm4, vm6  }
0x37: {  	v15 =	vld [tilespmem:s13+$0x1]  }
0x38: {  	v12 =	vadd.s32 v12, v14;
	v16 =	vld [tilespmem:s13+$0x11]  }
0x39: {  	v58 =	vmpcnt.ones.xlane vm4;
	vm2 =	vmand vm2, vm3;
	v17 =	vld [tilespmem:s13+$0x21];
	vm3 =	veq.s32 v6, v3  }
0x3a: {  	v60 =	vld [tilespmem:s13+$0x31];
	vm4 =	veq.s32 v7, v4;
	v12 =	vadd.s32 v13, v12;
	v59 =	vmpcnt.ones.xlane vm2  }
0x3b: {  	vm2 =	veq.s32 v10, v3;
	v12 =	vadd.s32 v58, v12;
	vm7 =	veq.s32 v8, v3  }
0x3c: {  	v6 =	vld [tilespmem:$0xFF1];
	v12 =	vadd.s32 v59, v12;
	vm5 =	veq.s32 v11, v3;
	vm6 =	veq.s32 v15, v4  }
0x3d: {  	vm8 =	veq.s32 v16, v4;
	vm5 =	vmand vm5, vm6;
	vm6 =	veq.s32 v9, v3  }
0x3e: {  	v63 =	vld [tilespmem:$0x1FFF0];
	v7 =	vmpcnt.ones.xlane vm5;
	vm5 =	vmand vm6, vm8;
	vm6 =	veq.s32 v17, v4  }
0x3f: {  	v61 =	vmpcnt.ones.xlane vm5;
	vm5 =	vmand vm7, vm6;
	vm6 =	veq.s32 v60, v4  }
0x40: {  	v7 =	vadd.s32 v12, v7;
	v62 =	vmpcnt.ones.xlane vm5;
	vm2 =	vmand vm2, vm6  }
0x41: {  	vm5 =	veq.s32 v5, v3;
	vm6 =	veq.s32 v6, v4;
	v7 =	vadd.s32 v61, v7  }
0x42: {  	v5 =	vmpcnt.ones.xlane vm2;
	vm2 =	vmand vm3, vm4;
	vm3 =	vmand vm5, vm6  }
0x43: {  	v6 =	vadd.s32 v62, v7;
	v7 =	vmpcnt.ones.xlane vm2;
	vm2 =	vnez.u8 v63  }
0x44: {  	vm2 =	vmand vm3, vm2  }
0x45: {  	v5 =	vadd.s32 v5, v6;
	v6 =	vmpcnt.ones.xlane vm2  }
0x46: {  	v5 =	vadd.s32 v7, v5  }
0x47: {  	v5 =	vadd.s32 v5, v6  }
0x48: {  	(v2sf) =	vpush v5, $0x0;
	_ =	sdelay $0xe  }
0x49: {  	v5 =	vcvt.s32.f32 v5;
	s31 =	spop (v2sf)  }
0x4a: {  	p0 =	slt.s32 s31, $0x1  }
.Ltmp3:
0x4b: {  	s14 =	simm.s32 $0x0;
	[tilespmem:$0x19780] =	vst v5;
	(pc) =	sbr.rel @p0 .LBB2_8-.Ltmp3, $4  }
0x4c: {  	[hbm4b:s4+s14] =	stream.linear.scatter [tilespmem:s10], [sflag:$0x1], $0x80, $0x38;
	[tilespmem:$0x19800] =	vst v63  }
0x4d: {  	_ =	swait.ge [sflag:s9], $0x80  }
0x4e: {  	[sflag:s9] =	ssyncset.done $0x0  }
0x4f: {  	s13 =	simm.s32 $0x0;
	vm9 =	vcmask $0x704;
	[sflag:s9] =	ssyncadd.s32 $0xFFFFFF80  }
.LBB2_4:
0x50: {  	p0 =	sne.s32 s13, $0x61A40  }
.Ltmp4:
0x51: {  	_ = 	snop;
	(pc) =	sbr.rel @p0 .LBB2_4-.Ltmp4, $3  }
0x52: {  	_ =	sdelay $0x1  }
0x53: {  	s15 =	sshra.s32 s13, $0x2  }
0x54: {  	s13 =	sadd.s32 $0x40, s13;
	[tilespmem:s15+$0x1080] =	vst v0  }
0x55: {  	s13 =	simm.s32 $0x2  }
0x56: {  	v5 =	vld [tilespmem:s13+$0xFFFFFFFE]  }
0x57: {  	v6 =	vld [tilespmem:s13+$0xFFFFFFFF];
	_ =	sdelay $0x3  }
0x58: {  	v7 =	vld [tilespmem:s13+$0x0]  }
0x59: {  	vm2 =	veq.s32 v5, v3;
	vm3 =	veq.s32 v6, v4;
	v5 =	vmov s14  }
0x5a: {  	vm2 =	vmand vm2, vm3;
	vm3 =	vlt.u32 v5, v1  }
0x5b: {  	vm2 =	vmand vm3, vm2  }
0x5c: {  	vm3 =	vmand vm2, vm1  }
0x5d: {  	v5 =	vnsel vm2, $0x0, v7;
	vm4 =	vmand vm2, vm9  }
0x5e: {  	vm5 =	vmand vm2, vm10  }
0x5f: {  	vm6 =	vmand vm2, vm11;
	vm7 =	vmand vm2, vm12  }
0x60: {  	vm8 =	vmand vm2, vm13;
	vm9 =	vmmov vm1;
	vm1 =	vmmov vm0  }
0x61: {  	vm0 =	vmmov vm15;
	vm15 =	vmmov vm14;
	vm14 =	vcmask $0x1B18  }
0x62: {  	[tilespmem:v5+s11+$0x0] =	vst.idx.add.f32.msk vm3, v2;
	vm3 =	vmand vm2, vm14  }
0x63: {  	[tilespmem:v5+s11+$0x0] =	vst.idx.add.f32.msk vm4, v2;
	vm4 =	vmand vm2, vm15  }
0x64: {  	[tilespmem:v5+s11+$0x0] =	vst.idx.add.f32.msk vm5, v2;
	vm5 =	vmand vm2, vm0  }
0x65: {  	vm14 =	vcmask $0x2B28;
	[tilespmem:v5+s11+$0x0] =	vst.idx.add.f32.msk vm6, v2;
	vm6 =	vmand vm2, vm1  }
0x66: {  	[tilespmem:v5+s11+$0x0] =	vst.idx.add.f32.msk vm7, v2;
	vm7 =	vmand vm2, vm14;
	vm14 =	vcmask $0x2F2C  }
0x67: {  	[tilespmem:v5+s11+$0x0] =	vst.idx.add.f32.msk vm8, v2;
	vm8 =	vmand vm2, vm14;
	vm14 =	vcmask $0x3330  }
0x68: {  	[tilespmem:v5+s11+$0x0] =	vst.idx.add.f32.msk vm3, v2;
	vm3 =	vmand vm2, vm14  }
0x69: {  	[tilespmem:v5+s11+$0x0] =	vst.idx.add.f32.msk vm4, v2  }
0x6a: {  	[tilespmem:v5+s11+$0x0] =	vst.idx.add.f32.msk vm5, v2  }
0x6b: {  	vm14 =	vcmask $0x3734;
	[tilespmem:v5+s11+$0x0] =	vst.idx.add.f32.msk vm6, v2  }
0x6c: {  	vm4 =	vmand vm2, vm14;
	vm14 =	vcmask $0x3B38;
	[tilespmem:v5+s11+$0x0] =	vst.idx.add.f32.msk vm7, v2  }
0x6d: {  	vm5 =	vmand vm2, vm14;
	[tilespmem:v5+s11+$0x0] =	vst.idx.add.f32.msk vm8, v2  }
0x6e: {  	[tilespmem:v5+s11+$0x0] =	vst.idx.add.f32.msk vm3, v2;
	vm3 =	vcmask $0x3F3C  }
0x6f: {  	vm2 =	vmand vm2, vm3;
	_ =	sdelay $0x2  }
0x70: {  	[tilespmem:v5+s11+$0x0] =	vst.idx.add.f32.msk vm4, v2  }
0x71: {  	s14 =	simm.s32 $0x10;
	[tilespmem:v5+s11+$0x0] =	vst.idx.add.f32.msk vm5, v2  }
.LBB2_6:
0x72: {  	p0 =	sne.s32 s14, $0xFF0  }
0x73: {  	[tilespmem:v5+s11+$0x0] =	vst.idx.add.f32.msk vm2, v2;
	s13 =	sadd.s32 $0x10, s13;
	s15 =	smov.u32 s14;
	s14 =	sadd.s32 $0x10, s14  }
0x74: {  	v5 =	vld [tilespmem:s13+$0xFFFFFFFE]  }
0x75: {  	v6 =	vld [tilespmem:s13+$0xFFFFFFFF];
	_ =	sdelay $0x3  }
0x76: {  	v7 =	vld [tilespmem:s13+$0x0]  }
0x77: {  	vm2 =	veq.s32 v5, v3;
	v5 =	vmov s15;
	vm3 =	veq.s32 v6, v4  }
0x78: {  	vm2 =	vmand vm2, vm3;
	vm3 =	vlt.u32 v5, v1  }
0x79: {  	vm2 =	vmand vm3, vm2  }
0x7a: {  	vm4 =	vcmask $0x704;
	vm3 =	vmand vm2, vm9  }
0x7b: {  	vm4 =	vmand vm2, vm4;
	v5 =	vnsel vm2, $0x0, v7  }
0x7c: {  	vm5 =	vmand vm2, vm10  }
0x7d: {  	vm6 =	vmand vm2, vm11  }
0x7e: {  	vm7 =	vmand vm2, vm12  }
0x7f: {  	vm8 =	vmand vm2, vm13  }
0x80: {  	[tilespmem:v5+s11+$0x0] =	vst.idx.add.f32.msk vm3, v2;
	vm3 =	vcmask $0x1B18  }
0x81: {  	vm3 =	vmand vm2, vm3  }
0x82: {  	[tilespmem:v5+s11+$0x0] =	vst.idx.add.f32.msk vm4, v2;
	vm4 =	vmand vm2, vm15  }
0x83: {  	[tilespmem:v5+s11+$0x0] =	vst.idx.add.f32.msk vm5, v2;
	vm5 =	vmand vm2, vm0  }
0x84: {  	[tilespmem:v5+s11+$0x0] =	vst.idx.add.f32.msk vm6, v2;
	vm6 =	vmand vm2, vm1  }
0x85: {  	[tilespmem:v5+s11+$0x0] =	vst.idx.add.f32.msk vm7, v2;
	vm7 =	vcmask $0x2B28  }
0x86: {  	vm7 =	vmand vm2, vm7  }
0x87: {  	[tilespmem:v5+s11+$0x0] =	vst.idx.add.f32.msk vm8, v2;
	vm8 =	vcmask $0x2F2C  }
0x88: {  	vm8 =	vmand vm2, vm8  }
0x89: {  	[tilespmem:v5+s11+$0x0] =	vst.idx.add.f32.msk vm3, v2;
	vm3 =	vcmask $0x3330  }
0x8a: {  	vm3 =	vmand vm2, vm3  }
0x8b: {  	[tilespmem:v5+s11+$0x0] =	vst.idx.add.f32.msk vm4, v2;
	vm4 =	vcmask $0x3734  }
0x8c: {  	vm4 =	vmand vm2, vm4  }
0x8d: {  	[tilespmem:v5+s11+$0x0] =	vst.idx.add.f32.msk vm5, v2;
	vm5 =	vmand vm2, vm14  }
0x8e: {  	[tilespmem:v5+s11+$0x0] =	vst.idx.add.f32.msk vm6, v2;
	vm6 =	vcmask $0x3F3C  }
0x8f: {  	vm2 =	vmand vm2, vm6  }
.Ltmp5:
0x90: {  	[tilespmem:v5+s11+$0x0] =	vst.idx.add.f32.msk vm7, v2;
	(pc) =	sbr.rel @p0 .LBB2_6-.Ltmp5, $4  }
0x91: {  	[tilespmem:v5+s11+$0x0] =	vst.idx.add.f32.msk vm8, v2  }
0x92: {  	[tilespmem:v5+s11+$0x0] =	vst.idx.add.f32.msk vm3, v2  }
0x93: {  	[tilespmem:v5+s11+$0x0] =	vst.idx.add.f32.msk vm4, v2  }
0x94: {  	[tilespmem:v5+s11+$0x0] =	vst.idx.add.f32.msk vm5, v2  }
.Ltmp6:
0x95: {  	_ = 	snop;
	(pc) =	sbr.rel .LBB2_7-.Ltmp6, $1  }
0x96: {  	_ =	sdelay $0x3  }
.LBB2_9:
0x97: {  	_ =	sfence.sel $0x180000  }
0x98: {  	[bflag:$0x0] =	sbarrier.arrive $0xFFFF  }
0x99: {  	p0 =	sne.s32 s0, $0x0;
	_ =	strace $0x90000047  }
0x9a: {  	s0 =	sadd.s32 @!p0 $0x100000, s1;
	[bflag:$0x2] =	sbarrier.arrive $0xFFFF  }
0x9b: {  	[sflag:s0] =	ssyncadd.tile.s32 @!p0 $0x1;
	_ =	shalt  }
.Lfunc_end2:
_tile_overlayer_lowered:
.L_overlay_start_2:
0x9c: {  	(tag) =	ssettag $0x2  }
0x9d: {  	s0 =	rddreg [dreg:$0x0];
	s2 =	stileid.u32  }
0x9e: {  	s1 =	rddreg [dreg:$0x1];
	p0 =	sne.s32 s2, $0x0  }
0x9f: {  	s3 =	rddreg [dreg:$0x2];
	[bflag:$0x3] =	sbarrier.arrive $0xFFFF;
	s2 =	simm.s32 @!p0 $0x1C01  }
0xa0: {  	[timem:s3], [sflag:s2] =	dma.local @!p0 [hbm:s0], s1  }
0xa1: {  	s0 =	simm.s32 @!p0 $0x1  }
0xa2: {  	_ =	swait.ge @!p0 [sflag:s0], s1  }
0xa3: {  	s1 =	ssub.s32 @!p0 $0x0, s1;
	[sflag:s0] =	ssyncset.done @!p0 $0x0  }
0xa4: {  	[sflag:s0] =	ssyncadd.s32 @!p0 s1  }
0xa5: {  	[bflag:$0x3] =	sbarrier.arrive $0xFFFF  }
0xa6: {  	_ =	shalt  }

</sc_bundles>
